<compile_context>
chip_gen: v7x
topology: tpu7x:2x2x1
jax: 0.10.2.dev20260603
libtpu: 0.0.44.dev20260713+nightly
codegen_flags: <defaults>
</compile_context>

<pallas_src>
import functools

import jax
import jax.numpy as jnp
from jax import lax
from jax.experimental import pallas as pl
from jax.experimental.pallas import tpu as pltpu
from jax.experimental.pallas import tpu_sc as plsc

N_NODES = 100000
MAX_Z = 89
NUM_GRAPHS = 1024

_NC = 2
_NS = 16
_NW = _NC * _NS
_LANES = 16
_CHUNK = 3136
_PAD_N = _NW * _CHUNK
_ACC = NUM_GRAPHS + _LANES


def _matvec_body(o_ref, a_ref, out_ref):
    out_ref[...] = jnp.dot(o_ref[...], a_ref[...],
                           preferred_element_type=jnp.float32)


def _matvec(node_attr, offset_row):
    nt = node_attr.T
    block = 25088
    grid = _PAD_N // block
    return pl.pallas_call(
        _matvec_body,
        grid=(grid,),
        in_specs=[
            pl.BlockSpec((1, MAX_Z), lambda i: (0, 0)),
            pl.BlockSpec((MAX_Z, block), lambda i: (0, i)),
        ],
        out_specs=pl.BlockSpec((1, block), lambda i: (0, i)),
        out_shape=jax.ShapeDtypeStruct((1, _PAD_N), jnp.float32),
    )(offset_row, nt)


_TAIL = N_NODES - (_NW - 1) * _CHUNK


def _segsum_body(v_hbm, ids_hbm, out_hbm, v_v, ids_v, acc_v):
    wid = lax.axis_index("c") * _NS + lax.axis_index("s")
    base = wid * _CHUNK
    pltpu.sync_copy(v_hbm.at[pl.ds(base, _CHUNK)], v_v)
    @pl.when(wid < _NW - 1)
    def _():
        pltpu.sync_copy(ids_hbm.at[pl.ds(base, _CHUNK)], ids_v)

    @pl.when(wid == _NW - 1)
    def _():
        pltpu.sync_copy(ids_hbm.at[pl.ds(base, _TAIL)], ids_v.at[pl.ds(0, _TAIL)])
        dump = jnp.full((_LANES,), NUM_GRAPHS, jnp.int32)
        for j in range(_TAIL // _LANES, _CHUNK // _LANES):
            ids_v[pl.ds(j * _LANES, _LANES)] = dump

    zeros = jnp.zeros((_LANES,), jnp.float32)

    @plsc.parallel_loop(0, _ACC // _LANES, unroll=4)
    def _zero(j):
        acc_v[pl.ds(j * _LANES, _LANES)] = zeros

    @plsc.parallel_loop(0, _CHUNK // _LANES, unroll=4)
    def _accum(j):
        idx = ids_v[pl.ds(j * _LANES, _LANES)]
        x = v_v[pl.ds(j * _LANES, _LANES)]
        plsc.addupdate_scatter(acc_v, [idx], x)

    pltpu.sync_copy(acc_v.at[pl.ds(0, NUM_GRAPHS)], out_hbm.at[wid])


def _segsum(v_pad, ids_pad):
    mesh = plsc.VectorSubcoreMesh(core_axis_name="c", subcore_axis_name="s")
    fn = functools.partial(
        pl.kernel,
        mesh=mesh,
        out_type=jax.ShapeDtypeStruct((_NW, NUM_GRAPHS), jnp.float32),
        scratch_types=[
            pltpu.VMEM((_CHUNK,), jnp.float32),
            pltpu.VMEM((_CHUNK,), jnp.int32),
            pltpu.VMEM((_ACC,), jnp.float32),
        ],
        compiler_params=pltpu.CompilerParams(needs_layout_passes=False),
    )(_segsum_body)
    return fn(v_pad, ids_pad)


def _combine_body(p_ref, out_ref):
    out_ref[...] = jnp.sum(p_ref[...], axis=0, keepdims=True)


def _combine(partials):
    return pl.pallas_call(
        _combine_body,
        out_shape=jax.ShapeDtypeStruct((1, NUM_GRAPHS), jnp.float32),
    )(partials)


def kernel(node_attr, segment_ids, property_offset):
    ids = segment_ids.astype(jnp.int32)
    v_pad = _matvec(node_attr, property_offset.reshape(1, MAX_Z)).reshape(-1)
    partials = _segsum(v_pad, ids)
    return _combine(partials).reshape(NUM_GRAPHS)

# --- scband reference (transcript-rebuilt; emitter-appended) ---
"""Pipeline reference for scband-atom-ref-61229053772543 (READ-ONLY COPY).

The authoritative reference and input builder live on the scoring server;
editing this copy changes nothing except your own understanding.
"""

import jax, jax.numpy as jnp
import numpy as np

N_NODES = 100000
MAX_Z = 89
NUM_GRAPHS = 1024


def setup_inputs(seed: int = 0) -> dict:
    key = jax.random.key(seed)
    k1, k2 = jax.random.split(key)
    node_attr = jax.random.uniform(k1, (N_NODES, MAX_Z), dtype=jnp.float32)
    segment_ids = jnp.sort(jax.random.randint(k2, (N_NODES,), 0, NUM_GRAPHS, dtype=jnp.int32)).astype(jnp.int64)
    property_offset = jnp.asarray(np.arange(MAX_Z, dtype=np.float32) * 0.1)
    return {"node_attr": node_attr, "segment_ids": segment_ids, "property_offset": property_offset}


def reference(node_attr, segment_ids, property_offset):
    # AtomRef.forward, 1-D property_offset branch:
    # property_offset_batched = offset.repeat(num_nodes, 1)  -> broadcast [N, max_z]
    # offset = property_offset_batched * g.ndata['attr']
    # g.ndata['atomic_offset'] = sum(offset, dim=1)
    # dgl.readout_nodes(g, 'atomic_offset')  -> per-graph sum (segment sum)
    offset = property_offset[None, :] * node_attr            # [N, max_z]
    atomic_offset = jnp.sum(offset, axis=1)                  # [N]
    offset_batched = jax.ops.segment_sum(atomic_offset, segment_ids, num_segments=NUM_GRAPHS)  # [num_graphs]
    return offset_batched

if __name__ == "__main__":
    import jax
    _d = setup_inputs()
    print(jax.jit(kernel)(*tuple(_d.values())))

</pallas_src>

<mosaic_0001>
#map = affine_map<(d0, d1) -> (0)>
#map1 = affine_map<(d0, d1) -> (0, 0)>
module attributes {stable_mosaic.version = 14 : i64} {
  func.func @_segsum_body(%arg0: i32, %arg1: i32, %arg2: memref<100352xf32, #tpu.memory_space<hbm>>, %arg3: memref<100000xi32, #tpu.memory_space<hbm>>, %arg4: memref<32x1024xf32, #tpu.memory_space<hbm>>, %arg5: memref<3136xf32, #tpu.memory_space<vmem>>, %arg6: memref<3136xi32, #tpu.memory_space<vmem>>, %arg7: memref<1040xf32, #tpu.memory_space<vmem>>) attributes {dimension_semantics = [#tpu.dimension_semantics<core_parallel>, #tpu.dimension_semantics<subcore_parallel>], iteration_bounds = array<i64: 2, 16>, scalar_prefetch = 0 : i64, scratch_operands = 3 : i64, tpu.core_type = #tpu.core_type<sc_vector_subcore>, window_params = [{transform_indices = #map}, {transform_indices = #map}, {transform_indices = #map1}]} {
    %mul3A = arith.constant 16 : i32
    %mul3A_0 = arith.muli %arg0, %mul3A : i32
    %add3A = arith.addi %mul3A_0, %arg1 : i32
    %mul3A_1 = arith.constant 3136 : i32
    %mul3A_2 = arith.muli %add3A, %mul3A_1 : i32
    "tpu.region"() ({
      %run_scoped3A = tpu.sem_alloc : memref<!tpu.dma_semaphore, #tpu.memory_space<semaphore_mem>>
      %dma_start3A = tpu.memref_slice %arg2[%mul3A_2] : memref<100352xf32, #tpu.memory_space<hbm>> -> memref<3136xf32, #tpu.memory_space<hbm>>
      %dma_start3A_15 = tpu.memref_slice %arg2[%mul3A_2] : memref<100352xf32, #tpu.memory_space<hbm>> -> memref<3136xf32, #tpu.memory_space<hbm>>
      tpu.enqueue_dma source(%dma_start3A_15 : memref<3136xf32, #tpu.memory_space<hbm>>) target(%arg5 : memref<3136xf32, #tpu.memory_space<vmem>>) target_semaphore(%run_scoped3A : memref<!tpu.dma_semaphore, #tpu.memory_space<semaphore_mem>>)
      %dma_wait3A = tpu.memref_slice %arg2[%mul3A_2] : memref<100352xf32, #tpu.memory_space<hbm>> -> memref<3136xf32, #tpu.memory_space<hbm>>
      %dma_wait3A_16 = tpu.memref_slice %arg2[%mul3A_2] : memref<100352xf32, #tpu.memory_space<hbm>> -> memref<3136xf32, #tpu.memory_space<hbm>>
      tpu.wait_dma2 semaphore(%run_scoped3A : memref<!tpu.dma_semaphore, #tpu.memory_space<semaphore_mem>>) src(%dma_wait3A_16 : memref<3136xf32, #tpu.memory_space<hbm>>) dst(%arg5 : memref<3136xf32, #tpu.memory_space<vmem>>)
      tpu.yield
    }) : () -> ()
    %lt3A = arith.constant 31 : i32
    %lt3A_3 = arith.cmpi slt, %add3A, %lt3A : i32
    %convert_element_type3A = arith.extui %lt3A_3 : i1 to i32
    %cond3A = arith.constant 0 : i32
    %cond3A_4 = arith.cmpi ne, %convert_element_type3A, %cond3A : i32
    scf.if %cond3A_4 {
      "tpu.region"() ({
        %run_scoped3A = tpu.sem_alloc : memref<!tpu.dma_semaphore, #tpu.memory_space<semaphore_mem>>
        %dma_start3A = tpu.memref_slice %arg3[%mul3A_2] : memref<100000xi32, #tpu.memory_space<hbm>> -> memref<3136xi32, #tpu.memory_space<hbm>>
        %dma_start3A_15 = tpu.memref_slice %arg3[%mul3A_2] : memref<100000xi32, #tpu.memory_space<hbm>> -> memref<3136xi32, #tpu.memory_space<hbm>>
        tpu.enqueue_dma source(%dma_start3A_15 : memref<3136xi32, #tpu.memory_space<hbm>>) target(%arg6 : memref<3136xi32, #tpu.memory_space<vmem>>) target_semaphore(%run_scoped3A : memref<!tpu.dma_semaphore, #tpu.memory_space<semaphore_mem>>)
        %dma_wait3A = tpu.memref_slice %arg3[%mul3A_2] : memref<100000xi32, #tpu.memory_space<hbm>> -> memref<3136xi32, #tpu.memory_space<hbm>>
        %dma_wait3A_16 = tpu.memref_slice %arg3[%mul3A_2] : memref<100000xi32, #tpu.memory_space<hbm>> -> memref<3136xi32, #tpu.memory_space<hbm>>
        tpu.wait_dma2 semaphore(%run_scoped3A : memref<!tpu.dma_semaphore, #tpu.memory_space<semaphore_mem>>) src(%dma_wait3A_16 : memref<3136xi32, #tpu.memory_space<hbm>>) dst(%arg6 : memref<3136xi32, #tpu.memory_space<vmem>>)
        tpu.yield
      }) : () -> ()
    } else {
    }
    %eq3A = arith.constant 31 : i32
    %eq3A_5 = arith.cmpi eq, %add3A, %eq3A : i32
    %convert_element_type3A_6 = arith.extui %eq3A_5 : i1 to i32
    %cond3A_7 = arith.constant 0 : i32
    %cond3A_8 = arith.cmpi ne, %convert_element_type3A_6, %cond3A_7 : i32
    scf.if %cond3A_8 {
      "tpu.region"() ({
        %run_scoped3A = tpu.sem_alloc : memref<!tpu.dma_semaphore, #tpu.memory_space<semaphore_mem>>
        %dma_start3A = arith.constant 0 : i32
        %dma_start3A_60 = tpu.memref_slice %arg6[%dma_start3A] : memref<3136xi32, #tpu.memory_space<vmem>> -> memref<2784xi32, #tpu.memory_space<vmem>>
        %dma_start3A_61 = tpu.memref_slice %arg3[%mul3A_2] : memref<100000xi32, #tpu.memory_space<hbm>> -> memref<2784xi32, #tpu.memory_space<hbm>>
        %dma_start3A_62 = arith.constant 0 : i32
        %dma_start3A_63 = tpu.memref_slice %arg6[%dma_start3A_62] : memref<3136xi32, #tpu.memory_space<vmem>> -> memref<2784xi32, #tpu.memory_space<vmem>>
        %dma_start3A_64 = tpu.memref_slice %arg3[%mul3A_2] : memref<100000xi32, #tpu.memory_space<hbm>> -> memref<2784xi32, #tpu.memory_space<hbm>>
        tpu.enqueue_dma source(%dma_start3A_64 : memref<2784xi32, #tpu.memory_space<hbm>>) target(%dma_start3A_63 : memref<2784xi32, #tpu.memory_space<vmem>>) target_semaphore(%run_scoped3A : memref<!tpu.dma_semaphore, #tpu.memory_space<semaphore_mem>>)
        %dma_wait3A = arith.constant 0 : i32
        %dma_wait3A_65 = tpu.memref_slice %arg6[%dma_wait3A] : memref<3136xi32, #tpu.memory_space<vmem>> -> memref<2784xi32, #tpu.memory_space<vmem>>
        %dma_wait3A_66 = tpu.memref_slice %arg3[%mul3A_2] : memref<100000xi32, #tpu.memory_space<hbm>> -> memref<2784xi32, #tpu.memory_space<hbm>>
        %dma_wait3A_67 = arith.constant 0 : i32
        %dma_wait3A_68 = tpu.memref_slice %arg6[%dma_wait3A_67] : memref<3136xi32, #tpu.memory_space<vmem>> -> memref<2784xi32, #tpu.memory_space<vmem>>
        %dma_wait3A_69 = tpu.memref_slice %arg3[%mul3A_2] : memref<100000xi32, #tpu.memory_space<hbm>> -> memref<2784xi32, #tpu.memory_space<hbm>>
        tpu.wait_dma2 semaphore(%run_scoped3A : memref<!tpu.dma_semaphore, #tpu.memory_space<semaphore_mem>>) src(%dma_wait3A_69 : memref<2784xi32, #tpu.memory_space<hbm>>) dst(%dma_wait3A_68 : memref<2784xi32, #tpu.memory_space<vmem>>)
        tpu.yield
      }) : () -> ()
      %broadcast_in_dim3A_15 = arith.constant 1024 : i32
      %broadcast_in_dim3A_16 = vector.broadcast %broadcast_in_dim3A_15 : i32 to vector<16xi32>
      %swap3A = arith.constant 2784 : index
      %swap3A_17 = tpu.vector_load %arg6[%swap3A] {strides = array<i32>} : memref<3136xi32, #tpu.memory_space<vmem>>, vector<16xi32>,
      tpu.vector_store %arg6[%swap3A], %broadcast_in_dim3A_16 {strides = array<i32>} : memref<3136xi32, #tpu.memory_space<vmem>>, vector<16xi32>,
      %swap3A_18 = arith.constant 2800 : index
      %swap3A_19 = tpu.vector_load %arg6[%swap3A_18] {strides = array<i32>} : memref<3136xi32, #tpu.memory_space<vmem>>, vector<16xi32>,
      tpu.vector_store %arg6[%swap3A_18], %broadcast_in_dim3A_16 {strides = array<i32>} : memref<3136xi32, #tpu.memory_space<vmem>>, vector<16xi32>,
      %swap3A_20 = arith.constant 2816 : index
      %swap3A_21 = tpu.vector_load %arg6[%swap3A_20] {strides = array<i32>} : memref<3136xi32, #tpu.memory_space<vmem>>, vector<16xi32>,
      tpu.vector_store %arg6[%swap3A_20], %broadcast_in_dim3A_16 {strides = array<i32>} : memref<3136xi32, #tpu.memory_space<vmem>>, vector<16xi32>,
      %swap3A_22 = arith.constant 2832 : index
      %swap3A_23 = tpu.vector_load %arg6[%swap3A_22] {strides = array<i32>} : memref<3136xi32, #tpu.memory_space<vmem>>, vector<16xi32>,
      tpu.vector_store %arg6[%swap3A_22], %broadcast_in_dim3A_16 {strides = array<i32>} : memref<3136xi32, #tpu.memory_space<vmem>>, vector<16xi32>,
      %swap3A_24 = arith.constant 2848 : index
      %swap3A_25 = tpu.vector_load %arg6[%swap3A_24] {strides = array<i32>} : memref<3136xi32, #tpu.memory_space<vmem>>, vector<16xi32>,
      tpu.vector_store %arg6[%swap3A_24], %broadcast_in_dim3A_16 {strides = array<i32>} : memref<3136xi32, #tpu.memory_space<vmem>>, vector<16xi32>,
      %swap3A_26 = arith.constant 2864 : index
      %swap3A_27 = tpu.vector_load %arg6[%swap3A_26] {strides = array<i32>} : memref<3136xi32, #tpu.memory_space<vmem>>, vector<16xi32>,
      tpu.vector_store %arg6[%swap3A_26], %broadcast_in_dim3A_16 {strides = array<i32>} : memref<3136xi32, #tpu.memory_space<vmem>>, vector<16xi32>,
      %swap3A_28 = arith.constant 2880 : index
      %swap3A_29 = tpu.vector_load %arg6[%swap3A_28] {strides = array<i32>} : memref<3136xi32, #tpu.memory_space<vmem>>, vector<16xi32>,
      tpu.vector_store %arg6[%swap3A_28], %broadcast_in_dim3A_16 {strides = array<i32>} : memref<3136xi32, #tpu.memory_space<vmem>>, vector<16xi32>,
      %swap3A_30 = arith.constant 2896 : index
      %swap3A_31 = tpu.vector_load %arg6[%swap3A_30] {strides = array<i32>} : memref<3136xi32, #tpu.memory_space<vmem>>, vector<16xi32>,
      tpu.vector_store %arg6[%swap3A_30], %broadcast_in_dim3A_16 {strides = array<i32>} : memref<3136xi32, #tpu.memory_space<vmem>>, vector<16xi32>,
      %swap3A_32 = arith.constant 2912 : index
      %swap3A_33 = tpu.vector_load %arg6[%swap3A_32] {strides = array<i32>} : memref<3136xi32, #tpu.memory_space<vmem>>, vector<16xi32>,
      tpu.vector_store %arg6[%swap3A_32], %broadcast_in_dim3A_16 {strides = array<i32>} : memref<3136xi32, #tpu.memory_space<vmem>>, vector<16xi32>,
      %swap3A_34 = arith.constant 2928 : index
      %swap3A_35 = tpu.vector_load %arg6[%swap3A_34] {strides = array<i32>} : memref<3136xi32, #tpu.memory_space<vmem>>, vector<16xi32>,
      tpu.vector_store %arg6[%swap3A_34], %broadcast_in_dim3A_16 {strides = array<i32>} : memref<3136xi32, #tpu.memory_space<vmem>>, vector<16xi32>,
      %swap3A_36 = arith.constant 2944 : index
      %swap3A_37 = tpu.vector_load %arg6[%swap3A_36] {strides = array<i32>} : memref<3136xi32, #tpu.memory_space<vmem>>, vector<16xi32>,
      tpu.vector_store %arg6[%swap3A_36], %broadcast_in_dim3A_16 {strides = array<i32>} : memref<3136xi32, #tpu.memory_space<vmem>>, vector<16xi32>,
      %swap3A_38 = arith.constant 2960 : index
      %swap3A_39 = tpu.vector_load %arg6[%swap3A_38] {strides = array<i32>} : memref<3136xi32, #tpu.memory_space<vmem>>, vector<16xi32>,
      tpu.vector_store %arg6[%swap3A_38], %broadcast_in_dim3A_16 {strides = array<i32>} : memref<3136xi32, #tpu.memory_space<vmem>>, vector<16xi32>,
      %swap3A_40 = arith.constant 2976 : index
      %swap3A_41 = tpu.vector_load %arg6[%swap3A_40] {strides = array<i32>} : memref<3136xi32, #tpu.memory_space<vmem>>, vector<16xi32>,
      tpu.vector_store %arg6[%swap3A_40], %broadcast_in_dim3A_16 {strides = array<i32>} : memref<3136xi32, #tpu.memory_space<vmem>>, vector<16xi32>,
      %swap3A_42 = arith.constant 2992 : index
      %swap3A_43 = tpu.vector_load %arg6[%swap3A_42] {strides = array<i32>} : memref<3136xi32, #tpu.memory_space<vmem>>, vector<16xi32>,
      tpu.vector_store %arg6[%swap3A_42], %broadcast_in_dim3A_16 {strides = array<i32>} : memref<3136xi32, #tpu.memory_space<vmem>>, vector<16xi32>,
      %swap3A_44 = arith.constant 3008 : index
      %swap3A_45 = tpu.vector_load %arg6[%swap3A_44] {strides = array<i32>} : memref<3136xi32, #tpu.memory_space<vmem>>, vector<16xi32>,
      tpu.vector_store %arg6[%swap3A_44], %broadcast_in_dim3A_16 {strides = array<i32>} : memref<3136xi32, #tpu.memory_space<vmem>>, vector<16xi32>,
      %swap3A_46 = arith.constant 3024 : index
      %swap3A_47 = tpu.vector_load %arg6[%swap3A_46] {strides = array<i32>} : memref<3136xi32, #tpu.memory_space<vmem>>, vector<16xi32>,
      tpu.vector_store %arg6[%swap3A_46], %broadcast_in_dim3A_16 {strides = array<i32>} : memref<3136xi32, #tpu.memory_space<vmem>>, vector<16xi32>,
      %swap3A_48 = arith.constant 3040 : index
      %swap3A_49 = tpu.vector_load %arg6[%swap3A_48] {strides = array<i32>} : memref<3136xi32, #tpu.memory_space<vmem>>, vector<16xi32>,
      tpu.vector_store %arg6[%swap3A_48], %broadcast_in_dim3A_16 {strides = array<i32>} : memref<3136xi32, #tpu.memory_space<vmem>>, vector<16xi32>,
      %swap3A_50 = arith.constant 3056 : index
      %swap3A_51 = tpu.vector_load %arg6[%swap3A_50] {strides = array<i32>} : memref<3136xi32, #tpu.memory_space<vmem>>, vector<16xi32>,
      tpu.vector_store %arg6[%swap3A_50], %broadcast_in_dim3A_16 {strides = array<i32>} : memref<3136xi32, #tpu.memory_space<vmem>>, vector<16xi32>,
      %swap3A_52 = arith.constant 3072 : index
      %swap3A_53 = tpu.vector_load %arg6[%swap3A_52] {strides = array<i32>} : memref<3136xi32, #tpu.memory_space<vmem>>, vector<16xi32>,
      tpu.vector_store %arg6[%swap3A_52], %broadcast_in_dim3A_16 {strides = array<i32>} : memref<3136xi32, #tpu.memory_space<vmem>>, vector<16xi32>,
      %swap3A_54 = arith.constant 3088 : index
      %swap3A_55 = tpu.vector_load %arg6[%swap3A_54] {strides = array<i32>} : memref<3136xi32, #tpu.memory_space<vmem>>, vector<16xi32>,
      tpu.vector_store %arg6[%swap3A_54], %broadcast_in_dim3A_16 {strides = array<i32>} : memref<3136xi32, #tpu.memory_space<vmem>>, vector<16xi32>,
      %swap3A_56 = arith.constant 3104 : index
      %swap3A_57 = tpu.vector_load %arg6[%swap3A_56] {strides = array<i32>} : memref<3136xi32, #tpu.memory_space<vmem>>, vector<16xi32>,
      tpu.vector_store %arg6[%swap3A_56], %broadcast_in_dim3A_16 {strides = array<i32>} : memref<3136xi32, #tpu.memory_space<vmem>>, vector<16xi32>,
      %swap3A_58 = arith.constant 3120 : index
      %swap3A_59 = tpu.vector_load %arg6[%swap3A_58] {strides = array<i32>} : memref<3136xi32, #tpu.memory_space<vmem>>, vector<16xi32>,
      tpu.vector_store %arg6[%swap3A_58], %broadcast_in_dim3A_16 {strides = array<i32>} : memref<3136xi32, #tpu.memory_space<vmem>>, vector<16xi32>,
    } else {
    }
    %broadcast_in_dim3A = arith.constant 0.000000e+00 : f32
    %broadcast_in_dim3A_9 = vector.broadcast %broadcast_in_dim3A : f32 to vector<16xf32>
    %parallel_loop3A = arith.constant 0 : i32
    %parallel_loop3A_10 = arith.constant 65 : i32
    %parallel_loop3A_11 = arith.constant 1 : i32
    scf.for %parallel_loop3A_15 = %parallel_loop3A to %parallel_loop3A_10 step %parallel_loop3A_11  : i32 {
      %parallel_loop3A_16 = arith.constant 16 : i32
      %parallel_loop3A_17 = arith.muli %parallel_loop3A_15, %parallel_loop3A_16 : i32
      %parallel_loop3A_18 = arith.index_cast %parallel_loop3A_17 : i32 to index
      %parallel_loop3A_19 = tpu.vector_load %arg7[%parallel_loop3A_18] {strides = array<i32>} : memref<1040xf32, #tpu.memory_space<vmem>>, vector<16xf32>,
      tpu.vector_store %arg7[%parallel_loop3A_18], %broadcast_in_dim3A_9 {strides = array<i32>} : memref<1040xf32, #tpu.memory_space<vmem>>, vector<16xf32>,
    } {sc.loop_unroll_factor = 4 : i64, sc.parallel_access}
    %parallel_loop3A_12 = arith.constant 0 : i32
    %parallel_loop3A_13 = arith.constant 196 : i32
    %parallel_loop3A_14 = arith.constant 1 : i32
    scf.for %parallel_loop3A_15 = %parallel_loop3A_12 to %parallel_loop3A_13 step %parallel_loop3A_14  : i32 {
      %parallel_loop3A_16 = arith.constant 16 : i32
      %parallel_loop3A_17 = arith.muli %parallel_loop3A_15, %parallel_loop3A_16 : i32
      %parallel_loop3A_18 = arith.index_cast %parallel_loop3A_17 : i32 to index
      %parallel_loop3A_19 = tpu.vector_load %arg6[%parallel_loop3A_18] {strides = array<i32>} : memref<3136xi32, #tpu.memory_space<vmem>>, vector<16xi32>,
      %parallel_loop3A_20 = arith.constant 16 : i32
      %parallel_loop3A_21 = arith.muli %parallel_loop3A_15, %parallel_loop3A_20 : i32
      %parallel_loop3A_22 = arith.index_cast %parallel_loop3A_21 : i32 to index
      %parallel_loop3A_23 = tpu.vector_load %arg5[%parallel_loop3A_22] {strides = array<i32>} : memref<3136xf32, #tpu.memory_space<vmem>>, vector<16xf32>,
      tpu.vector_store_idx %arg7[%parallel_loop3A_19], %parallel_loop3A_23 {add = true} : memref<1040xf32, #tpu.memory_space<vmem>>[vector<16xi32>], vector<16xf32>,
    } {sc.loop_unroll_factor = 4 : i64, sc.parallel_access}
    "tpu.region"() ({
      %run_scoped3A = tpu.sem_alloc : memref<!tpu.dma_semaphore, #tpu.memory_space<semaphore_mem>>
      %dma_start3A = arith.constant 0 : i32
      %dma_start3A_15 = tpu.memref_slice %arg7[%dma_start3A] : memref<1040xf32, #tpu.memory_space<vmem>> -> memref<1024xf32, #tpu.memory_space<vmem>>
      %dma_start3A_16 = arith.constant 0 : i32
      %dma_start3A_17 = tpu.memref_slice %arg4[%add3A, %dma_start3A_16] : memref<32x1024xf32, #tpu.memory_space<hbm>> -> memref<1x1024xf32, #tpu.memory_space<hbm>>
      %dma_start3A_18 = tpu.memref_squeeze %dma_start3A_17 : memref<1x1024xf32, #tpu.memory_space<hbm>> -> memref<1024xf32, #tpu.memory_space<hbm>>
      %dma_start3A_19 = arith.constant 0 : i32
      %dma_start3A_20 = tpu.memref_slice %arg4[%add3A, %dma_start3A_19] : memref<32x1024xf32, #tpu.memory_space<hbm>> -> memref<1x1024xf32, #tpu.memory_space<hbm>>
      %dma_start3A_21 = tpu.memref_squeeze %dma_start3A_20 : memref<1x1024xf32, #tpu.memory_space<hbm>> -> memref<1024xf32, #tpu.memory_space<hbm>>
      %dma_start3A_22 = arith.constant 0 : i32
      %dma_start3A_23 = tpu.memref_slice %arg7[%dma_start3A_22] : memref<1040xf32, #tpu.memory_space<vmem>> -> memref<1024xf32, #tpu.memory_space<vmem>>
      tpu.enqueue_dma source(%dma_start3A_23 : memref<1024xf32, #tpu.memory_space<vmem>>) target(%dma_start3A_21 : memref<1024xf32, #tpu.memory_space<hbm>>) target_semaphore(%run_scoped3A : memref<!tpu.dma_semaphore, #tpu.memory_space<semaphore_mem>>)
      %dma_wait3A = arith.constant 0 : i32
      %dma_wait3A_24 = tpu.memref_slice %arg7[%dma_wait3A] : memref<1040xf32, #tpu.memory_space<vmem>> -> memref<1024xf32, #tpu.memory_space<vmem>>
      %dma_wait3A_25 = arith.constant 0 : i32
      %dma_wait3A_26 = tpu.memref_slice %arg4[%add3A, %dma_wait3A_25] : memref<32x1024xf32, #tpu.memory_space<hbm>> -> memref<1x1024xf32, #tpu.memory_space<hbm>>
      %dma_wait3A_27 = tpu.memref_squeeze %dma_wait3A_26 : memref<1x1024xf32, #tpu.memory_space<hbm>> -> memref<1024xf32, #tpu.memory_space<hbm>>
      %dma_wait3A_28 = arith.constant 0 : i32
      %dma_wait3A_29 = tpu.memref_slice %arg4[%add3A, %dma_wait3A_28] : memref<32x1024xf32, #tpu.memory_space<hbm>> -> memref<1x1024xf32, #tpu.memory_space<hbm>>
      %dma_wait3A_30 = tpu.memref_squeeze %dma_wait3A_29 : memref<1x1024xf32, #tpu.memory_space<hbm>> -> memref<1024xf32, #tpu.memory_space<hbm>>
      %dma_wait3A_31 = arith.constant 0 : i32
      %dma_wait3A_32 = tpu.memref_slice %arg7[%dma_wait3A_31] : memref<1040xf32, #tpu.memory_space<vmem>> -> memref<1024xf32, #tpu.memory_space<vmem>>
      tpu.wait_dma2 semaphore(%run_scoped3A : memref<!tpu.dma_semaphore, #tpu.memory_space<semaphore_mem>>) src(%dma_wait3A_32 : memref<1024xf32, #tpu.memory_space<vmem>>) dst(%dma_wait3A_30 : memref<1024xf32, #tpu.memory_space<hbm>>)
      tpu.yield
    }) : () -> ()
    return
  }
}

module attributes {stable_mosaic.version = 14 : i64} {
  func.func @_combine_body(%arg0: memref<32x1024xf32, #tpu.memory_space<vmem>>, %arg1: memref<1x1024xf32, #tpu.memory_space<vmem>>) attributes {dimension_semantics = [], scalar_prefetch = 0 : i64, scratch_operands = 0 : i64, tpu.core_type = #tpu.core_type<tc>} {
    %get3A = arith.constant 0 : index
    %get3A_0 = arith.constant 0 : index
    %get3A_1 = vector.load %arg0[%get3A, %get3A_0] : memref<32x1024xf32, #tpu.memory_space<vmem>>, vector<32x1024xf32>
    %reduce_sum3A = arith.constant dense<0.000000e+00> : vector<1024xf32>
    %reduce_sum3A_2 = vector.multi_reduction <add>, %get3A_1, %reduce_sum3A [0] : vector<32x1024xf32> to vector<1024xf32>
    %broadcast_in_dim3A = vector.shape_cast %reduce_sum3A_2 : vector<1024xf32> to vector<1x1024xf32>
    %swap3A = arith.constant 0 : index
    %swap3A_3 = arith.constant 0 : index
    %swap3A_4 = vector.load %arg1[%swap3A, %swap3A_3] : memref<1x1024xf32, #tpu.memory_space<vmem>>, vector<1x1024xf32>
    tpu.vector_store %arg1[%swap3A, %swap3A_3], %broadcast_in_dim3A {strides = array<i32>} : memref<1x1024xf32, #tpu.memory_space<vmem>>, vector<1x1024xf32>,
    return
  }
}

module attributes {stable_mosaic.version = 14 : i64} {
  func.func @_matvec_body(%arg0: i32, %arg1: memref<1x89xf32, #tpu.memory_space<vmem>>, %arg2: memref<89x25088xf32, #tpu.memory_space<vmem>>, %arg3: memref<1x25088xf32, #tpu.memory_space<vmem>>) attributes {dimension_semantics = [#tpu.dimension_semantics<arbitrary>], iteration_bounds = array<i64: 4>, scalar_prefetch = 0 : i64, scratch_operands = 0 : i64, tpu.core_type = #tpu.core_type<tc>, window_params = [{pipeline_mode = #tpu.pipeline_mode<synchronous>, transform_indices = @transform_0, window_bounds = array<i64: 1, 89>}, {transform_indices = @transform_1, window_bounds = array<i64: 89, 25088>}, {transform_indices = @transform_2, window_bounds = array<i64: 1, 25088>}]} {
    %get3A = arith.constant 0 : index
    %get3A_0 = arith.constant 0 : index
    %get3A_1 = vector.load %arg1[%get3A, %get3A_0] : memref<1x89xf32, #tpu.memory_space<vmem>>, vector<1x89xf32>
    %get3A_2 = arith.constant 0 : index
    %get3A_3 = arith.constant 0 : index
    %get3A_4 = vector.load %arg2[%get3A_2, %get3A_3] : memref<89x25088xf32, #tpu.memory_space<vmem>>, vector<89x25088xf32>
    %dot_general3A = arith.constant dense<0.000000e+00> : vector<1x25088xf32>
    %dot_general3A_5 = tpu.matmul %get3A_1, %get3A_4, %dot_general3A {dimension_numbers = #tpu.dot_dimension_numbers<[1], [0], [0], [1], [0, 0, 1, 1], [], []>, transpose_lhs_hint = false} : vector<1x89xf32>, vector<89x25088xf32>, vector<1x25088xf32> -> vector<1x25088xf32>
    %swap3A = arith.constant 0 : index
    %swap3A_6 = arith.constant 0 : index
    %swap3A_7 = vector.load %arg3[%swap3A, %swap3A_6] : memref<1x25088xf32, #tpu.memory_space<vmem>>, vector<1x25088xf32>
    tpu.vector_store %arg3[%swap3A, %swap3A_6], %dot_general3A_5 {strides = array<i32>} : memref<1x25088xf32, #tpu.memory_space<vmem>>, vector<1x25088xf32>,
    return
  }
  func.func @transform_0(%arg0: i32) -> (i32, i32) {
    %c0_i32 = arith.constant 0 : i32
    %c0_i32_0 = arith.constant 0 : i32
    %c0_i32_1 = arith.constant 0 : i32
    return %c0_i32, %c0_i32_0 : i32, i32
  }
  func.func @transform_1(%arg0: i32) -> (i32, i32) {
    %c0_i32 = arith.constant 0 : i32
    %c0_i32_0 = arith.constant 0 : i32
    return %c0_i32, %arg0 : i32, i32
  }
  func.func @transform_2(%arg0: i32) -> (i32, i32) {
    %c0_i32 = arith.constant 0 : i32
    %c0_i32_0 = arith.constant 0 : i32
    return %c0_i32, %arg0 : i32, i32
  }
}

</mosaic_0001>

<sc_bundles>
// kernel: kernel.5.cloned.1.call-start
scs
__scs_entry_jumppad:
0x0: {  	(pc) =	sbr.rel $0x88, $3  }
0x1: {  	(tag) =	ssettag $0x0;
	lr =	simm.s32 $0x1  }
0x2: {  	[smem:$0x3F9E] =	sst lr;
	_ =	strace $0xD0000000  }
0x3: {  	_ = 	snop  }
0x4: {  	_ = 	snop  }
0x5: {  	_ = 	snop  }
0x6: {  	_ = 	snop  }
0x7: {  	_ = 	snop  }
__scs_overlays_trampoline_lowered:
0x8: {  	[smem:$0x3FAD] =	sst s0  }
0x9: {  	[smem:$0x3FAE] =	sst s1  }
0xa: {  	[smem:$0x3FAF] =	sst s2  }
0xb: {  	[smem:$0x3FB0] =	sst s3  }
0xc: {  	[smem:$0x3FB1] =	sst s4  }
0xd: {  	[smem:$0x3FB2] =	sst s5  }
0xe: {  	[smem:$0x3FB3] =	sst s6  }
0xf: {  	[smem:$0x3FB4] =	sst s7  }
0x10: {  	[smem:$0x3FB5] =	sst s8  }
0x11: {  	[smem:$0x3FB6] =	sst s9;
	s0 =	simm.s32 @!p0 $0x0  }
0x12: {  	s1 =	sld [smem:$0x3F9C];
	s0 =	simm.s32 @p0 $0x1  }
0x13: {  	[smem:$0x3FB7] =	sst s0;
	s0 =	simm.s32 @!p1 $0x0  }
0x14: {  	s2 =	sld [smem:$0x3F9B];
	s0 =	simm.s32 @p1 $0x1  }
0x15: {  	[smem:$0x3FB8] =	sst s0;
	s0 =	simm.s32 @!p2 $0x0  }
0x16: {  	s3 =	sld [smem:$0x3FDB];
	s0 =	simm.s32 @p2 $0x1  }
0x17: {  	s4 =	simm.s32 $0x1BF5;
	[smem:$0x3FBA] =	sst s0  }
0x18: {  	s0 =	sld [smem:$0x3F9D];
	_ =	swait.ge [sflag:s4], $0x0  }
0x19: {  	s7 =	sld [smem:$0x3F9E]  }
0x1a: {  	s8 =	sadd.s32 $0xFFFFE003, lr  }
0x1b: {  	s9 =	sadd.s32 $0xFFFFFEF7, lr;
	s5 =	simm.s32 $0xFFFFFFFF;
	p2 =	slt.u32 s8, $0xFFFFF086  }
0x1c: {  	p1 =	slt.u32 s9, $0xF7A;
	s5 =	simm.s32 @!p2 $0x0  }
0x1d: {  	s5 =	simm.s32 @p1 $0x1;
	p0 =	seq.s32 s7, s2  }
0x1e: {  	s7 =	smul.u32 @!p0 $0xF7A, s2;
	p2 =	seq.s32 @!p0 s5, $0x0  }
0x1f: {  	s9 =	smul.u32 $0xF7A, s1;
	s8 =	simm.s32 @!p0 $0x1BF5;
	p2 =	por !p2, p0  }
0x20: {  	[sflag:s8] =	ssyncset.s32 @!p0 $0xFFFFF086;
	s6 =	sadd.s32 @!p0 s3, s7;
	s7 =	simm.s32 @!p0 $0x108  }
0x21: {  	s3 =	sadd.s32 s3, s9;
	s6 =	sadd.s32 @!p0 $0x88, s6;
	s7 =	simm.s32 @p2 $0x1082  }
0x22: {  	[simem:s7], [sflag:s8] =	dma.local @!p0 [hbm:s6], $0xF7A  }
0x23: {  	s9 =	sor.u32 $0xD0000000, s2;
	s6 =	simm.s32 $0x108;
	_ =	swait.ge @!p0 [sflag:s8], $0x0  }
0x24: {  	s3 =	sadd.s32 $0x88, s3;
	s6 =	simm.s32 @!p1 $0x1082;
	[sflag:s4] =	ssyncset.s32 $0xFFFFF086  }
0x25: {  	[simem:s6], [sflag:s4] =	dma.local [hbm:s3], $0xF7A  }
0x26: {  	[smem:$0x3F9E] =	sst s1;
	(tag) =	ssettag s2;
	_ =	strace s9  }
0x27: {  	s1 =	sld [smem:$0x3FAE]  }
0x28: {  	s2 =	sld [smem:$0x3FAF]  }
0x29: {  	s4 =	sld [smem:$0x3FB1]  }
0x2a: {  	p0 =	seq.s32 s5, $0x0;
	s5 =	sld [smem:$0x3FB2]  }
0x2b: {  	s6 =	sld [smem:$0x3FB3]  }
0x2c: {  	s7 =	sld [smem:$0x3FB4]  }
0x2d: {  	s3 =	simm.s32 $0x108;
	s8 =	sld [smem:$0x3FB5]  }
0x2e: {  	s3 =	simm.s32 @!p0 $0x1082;
	s9 =	sld [smem:$0x3FB6]  }
0x2f: {  	lr =	sadd.s32 s0, s3;
	s0 =	sld [smem:$0x3FAD]  }
0x30: {  	s3 =	sld [smem:$0x3FB0]  }
0x31: {  	[smem:$0x3FB9] =	sst s10  }
0x32: {  	s10 =	sld [smem:$0x3FB7];
	_ =	sdelay $0x3  }
0x33: {  	p0 =	seq.s32 s10, $0x1;
	s10 =	sld [smem:$0x3FB9];
	_ =	sdelay $0x3  }
0x34: {  	[smem:$0x3FB9] =	sst s10  }
0x35: {  	s10 =	sld [smem:$0x3FB8];
	_ =	sdelay $0x3  }
0x36: {  	p1 =	seq.s32 s10, $0x1;
	s10 =	sld [smem:$0x3FB9];
	_ =	sdelay $0x3  }
0x37: {  	[smem:$0x3FB9] =	sst s10  }
0x38: {  	s10 =	sld [smem:$0x3FBA]  }
0x39: {  	_ = 	snop;
	(pc) =	sbr.ind lr, $3  }
0x3a: {  	_ = 	snop  }
0x3b: {  	_ = 	snop  }
0x3c: {  	p2 =	seq.s32 s10, $0x1;
	s10 =	sld [smem:$0x3FB9]  }
0x3d: {  	_ =	shalt  }
0x3e: {  	_ =	shalt  }
0x3f: {  	_ =	shalt  }
0x40: {  	_ =	shalt  }
0x41: {  	_ =	shalt  }
0x42: {  	_ =	shalt  }
0x43: {  	_ =	shalt  }
0x44: {  	_ =	shalt  }
0x45: {  	_ =	shalt  }
0x46: {  	_ =	shalt  }
0x47: {  	_ =	shalt  }
0x48: {  	_ =	shalt  }
0x49: {  	_ =	shalt  }
0x4a: {  	_ =	shalt  }
0x4b: {  	_ =	shalt  }
0x4c: {  	_ =	shalt  }
0x4d: {  	_ =	shalt  }
0x4e: {  	_ =	shalt  }
0x4f: {  	_ =	shalt  }
0x50: {  	_ =	shalt  }
0x51: {  	_ =	shalt  }
0x52: {  	_ =	shalt  }
0x53: {  	_ =	shalt  }
0x54: {  	_ =	shalt  }
0x55: {  	_ =	shalt  }
0x56: {  	_ =	shalt  }
0x57: {  	_ =	shalt  }
0x58: {  	_ =	shalt  }
0x59: {  	_ =	shalt  }
0x5a: {  	_ =	shalt  }
0x5b: {  	_ =	shalt  }
0x5c: {  	_ =	shalt  }
0x5d: {  	_ =	shalt  }
0x5e: {  	_ =	shalt  }
0x5f: {  	_ =	shalt  }
0x60: {  	_ =	shalt  }
0x61: {  	_ =	shalt  }
0x62: {  	_ =	shalt  }
0x63: {  	_ =	shalt  }
0x64: {  	_ =	shalt  }
0x65: {  	_ =	shalt  }
0x66: {  	_ =	shalt  }
0x67: {  	_ =	shalt  }
0x68: {  	_ =	shalt  }
0x69: {  	_ =	shalt  }
0x6a: {  	_ =	shalt  }
0x6b: {  	_ =	shalt  }
0x6c: {  	_ =	shalt  }
0x6d: {  	_ =	shalt  }
0x6e: {  	_ =	shalt  }
0x6f: {  	_ =	shalt  }
0x70: {  	_ =	shalt  }
0x71: {  	_ =	shalt  }
0x72: {  	_ =	shalt  }
0x73: {  	_ =	shalt  }
0x74: {  	_ =	shalt  }
0x75: {  	_ =	shalt  }
0x76: {  	_ =	shalt  }
0x77: {  	_ =	shalt  }
0x78: {  	_ =	shalt  }
0x79: {  	_ =	shalt  }
0x7a: {  	_ =	shalt  }
0x7b: {  	_ =	shalt  }
0x7c: {  	_ =	shalt  }
0x7d: {  	_ =	shalt  }
0x7e: {  	_ =	shalt  }
0x7f: {  	_ =	shalt  }
0x80: {  	_ =	shalt  }
0x81: {  	_ =	shalt  }
0x82: {  	_ =	shalt  }
0x83: {  	_ =	shalt  }
0x84: {  	_ =	shalt  }
0x85: {  	_ =	shalt  }
0x86: {  	_ =	shalt  }
0x87: {  	_ =	shalt  }
.Lfunc_end0:
.L_simem_size_0:
called_computation_lowered:
.L_overlay_start_0:
0x88: {  	s2 =	sld [smem:$0x3FD9]  }
0x89: {  	s3 =	sld [smem:$0x3FFE];
	_ =	sdelay $0x1  }
0x8a: {  	s1 =	srdreg.scid  }
0x8b: {  	s0 =	sand.u32 $0x1, s1  }
0x8c: {  	s17 =	sshll.u32 s0, $0xA;
	s2 =	sadd.s32 s3, s2  }
0x8d: {  	s2 =	sadd.s32 s2, s17  }
0x8e: {  	[smem:$0x3FC5] =	sst s2  }
0x8f: {  	_ = 	snop  }
0x90: {  	s2 =	sld [smem:$0x3FC8];
	(tm) =	ssettm $0x1  }
0x91: {  	s18 =	sld [smem:$0x3FFB];
	_ =	sdelay $0x3  }
0x92: {  	_ =	strace s18  }
0x93: {  	s3 =	sld [smem:$0x3FFC];
	_ =	sdelay $0x3  }
0x94: {  	_ =	strace s3  }
0x95: {  	s3 =	sld [smem:$0x3FFD];
	_ =	sdelay $0x3  }
0x96: {  	_ =	strace s3  }
0x97: {  	_ =	strace $0x8FFFFFFF  }
0x98: {  	s19 =	sld [smem:$0x3FDB];
	_ =	sdelay $0x1  }
0x99: {  	s4 =	simm.s32 $_scs_section_size  }
0x9a: {  	s5 =	simm.s32 $_size__tile_overlayer_lowered;
	s6 =	simm.s32 $_tile_overlayer_lowered  }
0x9b: {  	s22 =	simm.s32 $0x1BFF;
	s21 =	sshll.u32 s6, $0x1;
	s3 =	sadd.s32 s4, s19  }
0x9c: {  	s7 =	simm.s32 $0x0;
	s20 =	sshll.u32 s5, $0x1;
	s5 =	sadd.s32 s21, s3  }
0x9d: {  	[timem:s7], [sflag:s22] =	dma.local [hbm:s5], s20  }
0x9e: {  	_ =	swait.ge [sflag:s22], s20  }
0x9f: {  	s4 =	ssub.s32 $0x0, s20;
	[sflag:s22] =	ssyncset.done $0x0  }
0xa0: {  	[sflag:s22] =	ssyncadd.s32 s4;
	_ =	sdelay $0x1  }
0xa1: {  	s23 =	simm.s32 $0x1B8B  }
0xa2: {  	_ =	swait.ge [sflag:s23], $0x1  }
0xa3: {  	[sflag:s23] =	ssyncset.done $0x0  }
0xa4: {  	s25 =	simm.s32 $0x1B8E;
	s24 =	sld [smem:$0x3FFE];
	[sflag:s23] =	ssyncadd.s32 $0xFFFFFFFF  }
0xa5: {  	s26 =	simm.s32 $execute0_lowered;
	[smem:$0x3FD2] =	sst s25  }
0xa6: {  	s5 =	sshll.u32 s26, $0x1;
	_ =	strace $0x80000046;
	[dreg:$0x1] =	wrdreg $0xFFFFFFFF  }
0xa7: {  	s28 =	simm.s32 $_size_execute0_lowered;
	s3 =	sadd.s32 s3, s5;
	[dreg:$0x0] =	wrdreg $0x0  }
0xa8: {  	s5 =	sshll.u32 s28, $0x1;
	[dreg:$0x2] =	wrdreg s3  }
0xa9: {  	[dreg:$0x3] =	wrdreg s5  }
0xaa: {  	[dreg:$0x4] =	wrdreg $0xC0  }
0xab: {  	_ =	task [dreg:s7], $0x5FFFF  }
0xac: {  	[dreg:$0x1] =	wrdreg $0xFFFFFFFF  }
0xad: {  	[dreg:$0x0] =	wrdreg $0x60  }
0xae: {  	[dreg:$0x2] =	wrdreg s24  }
0xaf: {  	[dreg:$0x3] =	wrdreg s2  }
0xb0: {  	[dreg:$0x4] =	wrdreg $0x9  }
0xb1: {  	_ =	task.clear_ibuf [dreg:s7], $0x5FFFF;
	_ =	strace $0x90000046  }
0xb2: {  	s29 =	simm.s32 $0x9;
	_ =	strace $0x80000048  }
0xb3: {  	_ =	swait.ge [sflag:s29], $0x1  }
0xb4: {  	[sflag:s29] =	ssyncadd.s32 $0xFFFFFFFF  }
0xb5: {  	_ =	strace $0x90000048  }
0xb6: {  	_ =	sfence  }
0xb7: {  	s30 =	sld [smem:$0x0];
	_ =	sdelay $0x2  }
0xb8: {  	s31 =	sshll.u32 s1, $0xD;
	s1 =	sshrl.u32 s1, $0x2  }
0xb9: {  	s3 =	sand.u32 $0x4000, s31;
	s1 =	sadd.s32 s1, s30  }
0xba: {  	s0 =	sor.u32 s3, s0;
	s1 =	sshll.u32 s1, $0x11  }
0xbb: {  	s0 =	sor.u32 s1, s0  }
0xbc: {  	s0 =	sadd.s32 $0x8F2B, s0  }
0xbd: {  	[sflag:s0] =	ssyncadd.remote.s32 $0x1  }
0xbe: {  	_ =	sfence.sel $0xFFFF  }
0xbf: {  	[dreg:$0x0] =	wrdreg $0xFFFFFFFF;
	(pc) =	sbr.abs _section_cstart, $3  }
0xc0: {  	[dreg:$0x1] =	wrdreg $0xFFFFFFFF  }
0xc1: {  	_ =	task.clear_ibuf [dreg:s7], $0x2FFFF;
	_ =	strace $0x9FFFFFFF  }
0xc2: {  	(tm) =	ssettm $0x7FFFFFFF  }
0xc3: {  	_ =	shalt  }
tec
execute0_lowered:
.L_overlay_start_1:
0x0: {  	(tag) =	ssettag $0x1  }
0x1: {  	s0 =	srdreg.scid;
	s4 =	rddreg [dreg:$0x0]  }
0x2: {  	s5 =	rddreg [dreg:$0x1];
	s2 =	simm.s32 $0x0;
	s11 =	simm.s32 $0x0  }
0x3: {  	s3 =	sand.u32 $0x1, s0;
	s0 =	stileid.u32;
	[smem:$0x7FF] =	sst s2  }
0x4: {  	s1 =	sshll.u32 s3, $0x4;
	s9 =	sshll.u32 s0, $0x4;
	s3 =	ssub.s32 $0x2, s3  }
0x5: {  	s7 =	sor.u32 s0, s1;
	s1 =	rddreg [dreg:$0x2];
	_ =	strace $0x80000047  }
0x6: {  	s9 =	sand.u32 $0x70, s9;
	s30 =	sshrl.u32 s3, $0x1;
	s6 =	smul.u32 $0x188, s7  }
0x7: {  	s10 =	sshll.u32 s7, $0x7;
	p0 =	seq.s32 s7, $0x1F;
	s7 =	simm.s32 $0x1  }
0x8: {  	s10 =	sand.u32 $0xC00, s10;
	s8 =	sadd.s32 s6, s4;
	s4 =	sadd.s32 s9, s4  }
0x9: {  	s9 =	ssub.s32 s3, s30;
	s3 =	sadd.s32 $0xA00, s8;
	s31 =	sadd.s32 s10, s4  }
0xa: {  	s4 =	sadd.s32 s5, s6;
	s6 =	smax.u32 s9, $0x1;
	s8 =	simm.s32 $0x1900  }
0xb: {  	v0 =	vimm.f32 $0.0e+00;
	s9 =	simm.s32 $0x80;
	s10 =	simm.s32 $0x400;
	s5 =	sadd.s32 $0x3C00, s31  }
.LBB2_1:
0xc: {  	[tilespmem:s2], [sflag:$0x1] =	stream.linear.gather [hbm4b:s3+s2], $0xC40, $0x38;
	[tilespmem:$0x1D80] =	vst v63  }
0xd: {  	_ =	swait.ge [sflag:s7], $0xC40  }
0xe: {  	[sflag:s7] =	ssyncset.done $0x0  }
0xf: {  	s12 =	simm.s32 @p0 $0x0;
	s13 =	simm.s32 @p0 $0xC80;
	[sflag:s7] =	ssyncadd.s32 $0xFFFFF3C0  }
0x10: {  	[tilespmem:s13], [sflag:$0x1] =	stream.linear.gather @p0 [hbm4b:s4+s12], $0xAE0, $0x38;
	[tilespmem:$0x1D80] =	vst v63  }
0x11: {  	s12 =	simm.s32 @p0 $0x1  }
0x12: {  	_ =	swait.ge @p0 [sflag:s12], $0xAE0  }
0x13: {  	[sflag:s12] =	ssyncset.done @p0 $0x0  }
0x14: {  	v1 =	vimm.s32 @p0 $0x400;
	[sflag:s12] =	ssyncadd.s32 @p0 $0xFFFFF520  }
0x15: {  	[tilespmem:$0x1760] =	vst @p0 v1  }
0x16: {  	[tilespmem:$0x1770] =	vst @p0 v1  }
0x17: {  	[tilespmem:$0x1780] =	vst @p0 v1  }
0x18: {  	[tilespmem:$0x1790] =	vst @p0 v1  }
0x19: {  	[tilespmem:$0x17A0] =	vst @p0 v1  }
0x1a: {  	[tilespmem:$0x17B0] =	vst @p0 v1  }
0x1b: {  	[tilespmem:$0x17C0] =	vst @p0 v1  }
0x1c: {  	[tilespmem:$0x17D0] =	vst @p0 v1  }
0x1d: {  	[tilespmem:$0x17E0] =	vst @p0 v1  }
0x1e: {  	[tilespmem:$0x17F0] =	vst @p0 v1  }
0x1f: {  	[tilespmem:$0x1800] =	vst @p0 v1  }
0x20: {  	[tilespmem:$0x1810] =	vst @p0 v1  }
0x21: {  	[tilespmem:$0x1820] =	vst @p0 v1  }
0x22: {  	[tilespmem:$0x1830] =	vst @p0 v1  }
0x23: {  	[tilespmem:$0x1840] =	vst @p0 v1  }
0x24: {  	[tilespmem:$0x1850] =	vst @p0 v1  }
0x25: {  	[tilespmem:$0x1860] =	vst @p0 v1  }
0x26: {  	[tilespmem:$0x1870] =	vst @p0 v1  }
0x27: {  	[tilespmem:$0x1880] =	vst @p0 v1  }
0x28: {  	[tilespmem:$0x1890] =	vst @p0 v1  }
0x29: {  	[tilespmem:$0x18A0] =	vst @p0 v1  }
0x2a: {  	s13 =	simm.s32 @!p0 $0xC80;
	s12 =	simm.s32 @!p0 $0x0;
	[tilespmem:$0x18B0] =	vst @p0 v1  }
0x2b: {  	[tilespmem:s13], [sflag:$0x1] =	stream.linear.gather @!p0 [hbm4b:s4+s12], $0xC40, $0x38;
	[tilespmem:$0x1D80] =	vst v63  }
0x2c: {  	s12 =	simm.s32 @!p0 $0x1  }
0x2d: {  	_ =	swait.ge @!p0 [sflag:s12], $0xC40  }
0x2e: {  	[sflag:s12] =	ssyncset.done @!p0 $0x0  }
0x2f: {  	[sflag:s12] =	ssyncadd.s32 @!p0 $0xFFFFF3C0;
	s12 =	simm.s32 $0x1920  }
0x30: {  	[tilespmem:s12+$0xFFFFFFE0] =	vst v0  }
0x31: {  	[tilespmem:s12+$0x10] =	vst v0  }
0x32: {  	s13 =	simm.s32 $0x0;
	[tilespmem:s12+$0x0] =	vst v0  }
.LBB2_2:
0x33: {  	s13 =	sadd.s32 $0x4, s13  }
0x34: {  	[tilespmem:s12+$0xFFFFFFF0] =	vst v0;
	s12 =	sadd.s32 $0x40, s12;
	p1 =	slt.u32 s13, $0x3C  }
.Ltmp0:
0x35: {  	[tilespmem:s12+$0xFFFFFFE0] =	vst v0;
	(pc) =	sbr.rel @p1 .LBB2_2-.Ltmp0, $3  }
0x36: {  	_ =	sdelay $0x1  }
0x37: {  	[tilespmem:s12+$0x10] =	vst v0  }
0x38: {  	[tilespmem:s12+$0x0] =	vst v0  }
0x39: {  	[tilespmem:s12+$0xFFFFFFF0] =	vst v0  }
0x3a: {  	s13 =	simm.s32 $0xCA0;
	[tilespmem:$0x1D00] =	vst v0  }
0x3b: {  	v5 =	vld [tilespmem:s13+$0x10]  }
0x3c: {  	v6 =	vld [tilespmem:s13+$0xFFFFFFF0]  }
0x3d: {  	s12 =	simm.s32 $0x20;
	v1 =	vld [tilespmem:s13+$0x0]  }
0x3e: {  	v7 =	vld [tilespmem:s12+$0x10]  }
0x3f: {  	v8 =	vld [tilespmem:s12+$0xFFFFFFF0]  }
0x40: {  	v4 =	vld [tilespmem:s12+$0x0]  }
0x41: {  	v2 =	vld [tilespmem:s13+$0xFFFFFFE0]  }
0x42: {  	v3 =	vld [tilespmem:s12+$0xFFFFFFE0]  }
0x43: {  	[tilespmem:v5+s8+$0x0] =	vst.idx.add.f32.msk $0xffff, v7  }
0x44: {  	s14 =	simm.s32 $0xCE0;
	s13 =	simm.s32 $0x0;
	[tilespmem:v6+s8+$0x0] =	vst.idx.add.f32.msk $0xffff, v8  }
.LBB2_4:
0x45: {  	v5 =	vld [tilespmem:s14+$0x10];
	s13 =	sadd.s32 $0x4, s13;
	v6 =	vmov v4  }
0x46: {  	v7 =	vld [tilespmem:s14+$0xFFFFFFF0];
	p1 =	slt.u32 s13, $0xC0  }
0x47: {  	s12 =	sadd.s32 $0x40, s12;
	v8 =	vld [tilespmem:s14+$0x0]  }
0x48: {  	v9 =	vld [tilespmem:s12+$0x10]  }
0x49: {  	v10 =	vld [tilespmem:s14+$0xFFFFFFE0]  }
0x4a: {  	v11 =	vld [tilespmem:s12+$0xFFFFFFE0]  }
0x4b: {  	v12 =	vld [tilespmem:s12+$0xFFFFFFF0]  }
.Ltmp1:
0x4c: {  	v4 =	vld [tilespmem:s12+$0x0];
	(pc) =	sbr.rel @p1 .LBB2_4-.Ltmp1, $4  }
0x4d: {  	[tilespmem:v5+s8+$0x0] =	vst.idx.add.f32.msk $0xffff, v9  }
0x4e: {  	[tilespmem:v2+s8+$0x0] =	vst.idx.add.f32.msk $0xffff, v3;
	v2 =	vmov v10  }
0x4f: {  	[tilespmem:v1+s8+$0x0] =	vst.idx.add.f32.msk $0xffff, v6;
	v1 =	vmov v8;
	v3 =	vmov v11  }
0x50: {  	s14 =	sadd.s32 $0x40, s14;
	[tilespmem:v7+s8+$0x0] =	vst.idx.add.f32.msk $0xffff, v12  }
0x51: {  	_ =	sdelay $0x2  }
0x52: {  	s11 =	sadd.s32 $0x1, s11  }
0x53: {  	[tilespmem:v2+s8+$0x0] =	vst.idx.add.f32.msk $0xffff, v3;
	p1 =	sne.s32 s11, s6  }
.Ltmp2:
0x54: {  	[tilespmem:v1+s8+$0x0] =	vst.idx.add.f32.msk $0xffff, v4;
	(pc) =	sbr.rel @p1 .LBB2_1-.Ltmp2, $4  }
0x55: {  	[hbm4b:s5+s9] =	stream.strided.scatter [tilespmem:s8], [sflag:$0x1], $0x400, s10, s9, $0x38;
	[tilespmem:$0x1D80] =	vst v63  }
0x56: {  	_ =	swait.ge [sflag:s7], $0x400  }
0x57: {  	[sflag:s7] =	ssyncset.done $0x0  }
0x58: {  	[sflag:s7] =	ssyncadd.s32 $0xFFFFFC00  }
0x59: {  	_ =	sfence.sel $0x180000  }
0x5a: {  	[bflag:$0x0] =	sbarrier.arrive $0xFFFF  }
0x5b: {  	p0 =	sne.s32 s0, $0x0;
	_ =	strace $0x90000047  }
0x5c: {  	s0 =	sadd.s32 @!p0 $0x100000, s1;
	[bflag:$0x2] =	sbarrier.arrive $0xFFFF  }
0x5d: {  	[sflag:s0] =	ssyncadd.tile.s32 @!p0 $0x1;
	_ =	shalt  }
.Lfunc_end2:
_tile_overlayer_lowered:
.L_overlay_start_2:
0x5e: {  	(tag) =	ssettag $0x2  }
0x5f: {  	s0 =	rddreg [dreg:$0x0];
	s2 =	stileid.u32  }
0x60: {  	s1 =	rddreg [dreg:$0x1];
	p0 =	sne.s32 s2, $0x0  }
0x61: {  	s3 =	rddreg [dreg:$0x2];
	[bflag:$0x3] =	sbarrier.arrive $0xFFFF;
	s2 =	simm.s32 @!p0 $0x1C01  }
0x62: {  	[timem:s3], [sflag:s2] =	dma.local @!p0 [hbm:s0], s1  }
0x63: {  	s0 =	simm.s32 @!p0 $0x1  }
0x64: {  	_ =	swait.ge @!p0 [sflag:s0], s1  }
0x65: {  	s1 =	ssub.s32 @!p0 $0x0, s1;
	[sflag:s0] =	ssyncset.done @!p0 $0x0  }
0x66: {  	[sflag:s0] =	ssyncadd.s32 @!p0 s1  }
0x67: {  	[bflag:$0x3] =	sbarrier.arrive $0xFFFF  }
0x68: {  	_ =	shalt  }

</sc_bundles>
